<compile_context>
chip_gen: v7x
topology: tpu7x:2x2x1
jax: 0.10.2.dev20260603
libtpu: 0.0.44.dev20260713+nightly
codegen_flags: <defaults>
</compile_context>

<pallas_src>
import functools

import jax
import jax.numpy as jnp
from jax import lax
from jax.experimental import pallas as pl
from jax.experimental.pallas import tpu as pltpu
from jax.experimental.pallas import tpu_sc as plsc

_NC = 2
_NS = 16
_NW = _NC * _NS
_CHUNK = 16384


def _gather_body(T, n_w, w_hbm, out_hbm, idx_ref, val_ref, sem):
    per_w = (T * T) // _NW
    n_chunks = per_w // _CHUNK
    wid = lax.axis_index("s") * _NC + lax.axis_index("c")
    lane = lax.iota(jnp.int32, 16)
    tbits = T.bit_length() - 1

    def fill_idx(k, slot):
        base = wid * per_w + k * _CHUNK

        def vec(v, carry2):
            kk = base + v * 16 + lane
            a = lax.shift_right_arithmetic(kk, tbits)
            b = lax.bitwise_and(kk, T - 1)
            gt = lax.bitwise_and(lax.shift_right_logical(b - a, 31), 1)
            c = a - gt
            idx_up = lax.shift_right_arithmetic(b * (2 * T - 1 - b), 1) + c
            m = a + b - T + 1 - gt
            idx_lo = lax.shift_right_arithmetic(m * (2 * T - 1 - m), 1) + b - m - 1
            idx = jnp.where(a == b, n_w,
                            jnp.where(c < T - 1 - b, idx_up, idx_lo))
            idx_ref[pl.ds(slot * _CHUNK + v * 16, 16)] = idx
            return carry2

        lax.fori_loop(0, _CHUNK // 16, vec, 0)

    fill_idx(0, 0)

    def chunk(k, carry):
        par = lax.bitwise_and(k, 1)
        cp = pltpu.async_copy(
            w_hbm.at[idx_ref.at[pl.ds(par * _CHUNK, _CHUNK)]], val_ref, sem)
        @pl.when(k < n_chunks - 1)
        def _():
            fill_idx(k + 1, 1 - par)
        cp.wait()
        base = wid * per_w + k * _CHUNK
        pltpu.sync_copy(val_ref, out_hbm.at[pl.ds(base, _CHUNK)])
        return carry

    lax.fori_loop(0, n_chunks, chunk, 0)


def _densify(w, T):
    n_w = w.shape[0]
    w_ext = jnp.concatenate([w, jnp.zeros((8,), jnp.float32)])

    gather = functools.partial(
        pl.kernel,
        out_type=jax.ShapeDtypeStruct((T * T,), jnp.float32),
        mesh=plsc.VectorSubcoreMesh(core_axis_name="c", subcore_axis_name="s"),
        scratch_types=[
            pltpu.VMEM((2 * _CHUNK,), jnp.int32),
            pltpu.VMEM((_CHUNK,), jnp.float32),
            pltpu.SemaphoreType.DMA,
        ],
    )(functools.partial(_gather_body, T, n_w))
    return gather(w_ext).reshape(T, T)


def _recurrence_body(num_props, input_nodes, output_units,
                     mt_ref, b_ref, x_ref, out_ref, c_ref):
    T = mt_ref.shape[0]
    B = x_ref.shape[0]
    IN = input_nodes
    TAIL = T - IN

    c_ref[...] = jnp.dot(x_ref[...].astype(jnp.bfloat16), mt_ref[:IN, :],
                         preferred_element_type=jnp.float32)
    b_row = b_ref[...]

    def body(t, h_tail):
        pre = (c_ref[pl.ds(t, 1), :]
               + jnp.dot(h_tail.astype(jnp.bfloat16), mt_ref[IN:, :],
                         preferred_element_type=jnp.float32)
               + b_row)
        s = jnp.tanh(pre)
        for _ in range(num_props - 2):
            s = jnp.tanh(jnp.dot(s.astype(jnp.bfloat16), mt_ref[...],
                                 preferred_element_type=jnp.float32)
                         + b_row)
        s_tail = jnp.tanh(jnp.dot(s.astype(jnp.bfloat16), mt_ref[:, IN:],
                                  preferred_element_type=jnp.float32)
                          + b_row[:, IN:])
        out_ref[pl.ds(t, 1), :] = s_tail[:1, TAIL - output_units:]
        return s_tail

    lax.fori_loop(0, B, body, jnp.zeros((8, TAIL), jnp.float32))


def kernel(inputs, w, b, weight_table):
    T = b.shape[0]
    B, IN = inputs.shape
    OUT = 512

    del weight_table
    mt = _densify(w, T).astype(jnp.bfloat16)

    body = functools.partial(_recurrence_body, 4, IN, OUT)
    out = pl.pallas_call(
        body,
        out_shape=jax.ShapeDtypeStruct((B, OUT), jnp.float32),
        scratch_shapes=[pltpu.VMEM((B, T), jnp.float32)],
    )(mt, b.reshape(1, T), inputs)
    return out

# --- scband reference (transcript-rebuilt; emitter-appended) ---
"""Pipeline reference for scband-jimmy-mark-iv-77584289235335 (READ-ONLY COPY).

The authoritative reference and input builder live on the scoring server;
editing this copy changes nothing except your own understanding.
"""

import jax, jax.numpy as jnp
import numpy as np

HIDDEN_UNITS = 1024
OUTPUT_UNITS = 512
INPUT_NODES = 512
NUM_PROPAGATIONS = 4
BATCH = 32
TOTAL = HIDDEN_UNITS + OUTPUT_UNITS + INPUT_NODES


def generate_node_to_weight_table(total_units):
    # Faithful port of the original numpy table generation (including its
    # quirky upper-then-lower pairing order).
    seq_one = []
    cur_val = 0
    for unit in range(total_units):
        inverse = abs(unit - total_units)
        row = [col for col in range(cur_val, cur_val + inverse - 1)]
        cur_val = row[-1] + 1 if len(row) > 0 else 0
        row.extend([np.nan for _ in range(unit)])
        seq_one.append(row)
    seq_one = np.array(seq_one)
    flipped = np.fliplr(seq_one)
    seq_two = []
    for col in range(total_units):
        seq_two.append(flipped.diagonal(col))
    seq_two = seq_two[::-1]
    seq_one_reshaped = []
    for row in seq_one:
        seq_one_reshaped.append(row[~np.isnan(row)])
    seq_one = seq_one_reshaped
    merged = []
    for ind in range(len(seq_one)):
        merged.append(np.concatenate((seq_one[ind], seq_two[ind])))
    return np.array(merged, dtype=int)


def setup_inputs(seed: int = 0):
    key = jax.random.key(seed)
    k1, k2, k3 = jax.random.split(key, 3)
    n_w = TOTAL * (TOTAL - 1) // 2
    lim_w = float(np.sqrt(3.0 / n_w))
    lim_b = float(np.sqrt(3.0 / TOTAL))
    inputs = jax.random.normal(k1, (BATCH, INPUT_NODES), dtype=jnp.float32)
    w = jax.random.uniform(k2, (n_w,), dtype=jnp.float32, minval=-lim_w, maxval=lim_w)
    b = jax.random.uniform(k3, (TOTAL,), dtype=jnp.float32, minval=-lim_b, maxval=lim_b)
    weight_table = jnp.asarray(generate_node_to_weight_table(TOTAL), dtype=jnp.int32)
    return {"inputs": inputs, "w": w, "b": b, "weight_table": weight_table}


def reference(inputs, w, b, weight_table):
    total = b.shape[0]
    input_nodes = inputs.shape[1]
    # neighbor_nodes for node i = concat(states[:i], states[i+1:])
    idx = jnp.arange(total - 1)
    node = jnp.arange(total)[:, None]
    neighbor_idx = jnp.where(idx[None, :] < node, idx[None, :], idx[None, :] + 1)  # (T, T-1)
    W_mat = jnp.take(w, weight_table)  # (T, T-1) gather of shared symmetric weights

    def step(states, x_b):
        # overwrite input node states; hidden/output states carry over from
        # the previous batch element, exactly as the tf.Variable does
        states = states.at[:input_nodes].set(x_b)
        for _ in range(NUM_PROPAGATIONS):
            gathered = jnp.take(states, neighbor_idx)  # (T, T-1)
            states = jnp.tanh(jnp.sum(W_mat * gathered, axis=1) + b)
        return states, states

    init = jnp.zeros((total,), dtype=jnp.float32)
    _, batch_states = jax.lax.scan(step, init, inputs)
    return batch_states[:, -OUTPUT_UNITS:]

if __name__ == "__main__":
    import jax
    _d = setup_inputs()
    print(jax.jit(kernel)(*tuple(_d.values())))

</pallas_src>

<mosaic_0001>
#map = affine_map<(d0, d1) -> (0)>
module attributes {stable_mosaic.version = 14 : i64} {
  func.func @_gather_body(%arg0: i32, %arg1: i32, %arg2: memref<2096136xf32, #tpu.memory_space<hbm>>, %arg3: memref<4194304xf32, #tpu.memory_space<hbm>>, %arg4: memref<32768xi32, #tpu.memory_space<vmem>>, %arg5: memref<16384xf32, #tpu.memory_space<vmem>>, %arg6: memref<!tpu.dma_semaphore, #tpu.memory_space<semaphore_mem>>) attributes {dimension_semantics = [#tpu.dimension_semantics<core_parallel>, #tpu.dimension_semantics<subcore_parallel>], iteration_bounds = array<i64: 2, 16>, scalar_prefetch = 0 : i64, scratch_operands = 3 : i64, tpu.core_type = #tpu.core_type<sc_vector_subcore>, window_params = [{transform_indices = #map}, {transform_indices = #map}]} {
    %mul3A = arith.constant 2 : i32
    %mul3A_0 = arith.muli %arg1, %mul3A : i32
    %add3A = arith.addi %mul3A_0, %arg0 : i32
    %iota3A = tpu.iota {dimensions = array<i32: 0>} : vector<16xi32>
    %mul3A_1 = arith.constant 131072 : i32
    %mul3A_2 = arith.muli %add3A, %mul3A_1 : i32
    %add3A_3 = arith.constant 0 : i32
    %add3A_4 = arith.addi %mul3A_2, %add3A_3 : i32
    %scan3A = arith.constant 0 : i32
    %scan3A_5 = arith.constant 0 : i32
    %scan3A_6 = arith.constant 1024 : i32
    %scan3A_7 = arith.addi %scan3A_5, %scan3A_6 : i32
    %scan3A_8 = arith.constant 1 : i32
    scf.for %scan3A_16 = %scan3A_5 to %scan3A_7 step %scan3A_8  : i32 {
      %mul3A_17 = arith.constant 16 : i32
      %mul3A_18 = arith.muli %scan3A_16, %mul3A_17 : i32
      %add3A_19 = arith.addi %add3A_4, %mul3A_18 : i32
      %add3A_20 = vector.broadcast %add3A_19 : i32 to vector<16xi32>
      %add3A_21 = arith.addi %add3A_20, %iota3A : vector<16xi32>
      %shift_right_arithmetic3A = arith.constant 11 : i32
      %shift_right_arithmetic3A_22 = vector.broadcast %shift_right_arithmetic3A : i32 to vector<16xi32>
      %shift_right_arithmetic3A_23 = arith.shrsi %add3A_21, %shift_right_arithmetic3A_22 : vector<16xi32>
      %and3A = arith.constant 2047 : i32
      %and3A_24 = vector.broadcast %and3A : i32 to vector<16xi32>
      %and3A_25 = arith.andi %add3A_21, %and3A_24 : vector<16xi32>
      %sub3A = arith.subi %and3A_25, %shift_right_arithmetic3A_23 : vector<16xi32>
      %shift_right_logical3A = arith.constant 31 : i32
      %shift_right_logical3A_26 = vector.broadcast %shift_right_logical3A : i32 to vector<16xi32>
      %shift_right_logical3A_27 = arith.shrui %sub3A, %shift_right_logical3A_26 : vector<16xi32>
      %and3A_28 = arith.constant 1 : i32
      %and3A_29 = vector.broadcast %and3A_28 : i32 to vector<16xi32>
      %and3A_30 = arith.andi %shift_right_logical3A_27, %and3A_29 : vector<16xi32>
      %sub3A_31 = arith.subi %shift_right_arithmetic3A_23, %and3A_30 : vector<16xi32>
      %sub3A_32 = arith.constant 4095 : i32
      %sub3A_33 = vector.broadcast %sub3A_32 : i32 to vector<16xi32>
      %sub3A_34 = arith.subi %sub3A_33, %and3A_25 : vector<16xi32>
      %mul3A_35 = arith.muli %and3A_25, %sub3A_34 : vector<16xi32>
      %shift_right_arithmetic3A_36 = arith.constant 1 : i32
      %shift_right_arithmetic3A_37 = vector.broadcast %shift_right_arithmetic3A_36 : i32 to vector<16xi32>
      %shift_right_arithmetic3A_38 = arith.shrsi %mul3A_35, %shift_right_arithmetic3A_37 : vector<16xi32>
      %add3A_39 = arith.addi %shift_right_arithmetic3A_38, %sub3A_31 : vector<16xi32>
      %add3A_40 = arith.addi %shift_right_arithmetic3A_23, %and3A_25 : vector<16xi32>
      %sub3A_41 = arith.constant 2048 : i32
      %sub3A_42 = vector.broadcast %sub3A_41 : i32 to vector<16xi32>
      %sub3A_43 = arith.subi %add3A_40, %sub3A_42 : vector<16xi32>
      %add3A_44 = arith.constant 1 : i32
      %add3A_45 = vector.broadcast %add3A_44 : i32 to vector<16xi32>
      %add3A_46 = arith.addi %sub3A_43, %add3A_45 : vector<16xi32>
      %sub3A_47 = arith.subi %add3A_46, %and3A_30 : vector<16xi32>
      %sub3A_48 = arith.constant 4095 : i32
      %sub3A_49 = vector.broadcast %sub3A_48 : i32 to vector<16xi32>
      %sub3A_50 = arith.subi %sub3A_49, %sub3A_47 : vector<16xi32>
      %mul3A_51 = arith.muli %sub3A_47, %sub3A_50 : vector<16xi32>
      %shift_right_arithmetic3A_52 = arith.constant 1 : i32
      %shift_right_arithmetic3A_53 = vector.broadcast %shift_right_arithmetic3A_52 : i32 to vector<16xi32>
      %shift_right_arithmetic3A_54 = arith.shrsi %mul3A_51, %shift_right_arithmetic3A_53 : vector<16xi32>
      %add3A_55 = arith.addi %shift_right_arithmetic3A_54, %and3A_25 : vector<16xi32>
      %sub3A_56 = arith.subi %add3A_55, %sub3A_47 : vector<16xi32>
      %sub3A_57 = arith.constant 1 : i32
      %sub3A_58 = vector.broadcast %sub3A_57 : i32 to vector<16xi32>
      %sub3A_59 = arith.subi %sub3A_56, %sub3A_58 : vector<16xi32>
      %eq3A = arith.cmpi eq, %shift_right_arithmetic3A_23, %and3A_25 : vector<16xi32>
      %sub3A_60 = arith.constant 2047 : i32
      %sub3A_61 = vector.broadcast %sub3A_60 : i32 to vector<16xi32>
      %sub3A_62 = arith.subi %sub3A_61, %and3A_25 : vector<16xi32>
      %lt3A = arith.cmpi slt, %sub3A_31, %sub3A_62 : vector<16xi32>
      %select_n3A = arith.select %lt3A, %add3A_39, %sub3A_59 : vector<16xi1>, vector<16xi32>
      %jit3A = arith.constant 2096128 : i32
      %broadcast_in_dim3A = vector.broadcast %jit3A : i32 to vector<16xi32>
      %select_n3A_63 = arith.select %eq3A, %broadcast_in_dim3A, %select_n3A : vector<16xi1>, vector<16xi32>
      %mul3A_64 = arith.constant 16 : i32
      %mul3A_65 = arith.muli %scan3A_16, %mul3A_64 : i32
      %add3A_66 = arith.constant 0 : i32
      %add3A_67 = arith.addi %add3A_66, %mul3A_65 : i32
      %swap3A = arith.index_cast %add3A_67 : i32 to index
      %swap3A_68 = tpu.vector_load %arg4[%swap3A] {strides = array<i32>} : memref<32768xi32, #tpu.memory_space<vmem>>, vector<16xi32>,
      %swap3A_69 = vector.shape_cast %swap3A_68 : vector<16xi32> to vector<16xi32>
      %swap3A_70 = vector.shape_cast %select_n3A_63 : vector<16xi32> to vector<16xi32>
      tpu.vector_store %arg4[%swap3A], %swap3A_70 {strides = array<i32>} : memref<32768xi32, #tpu.memory_space<vmem>>, vector<16xi32>,
    }
    %scan3A_9 = arith.constant 1024 : i32
    %scan3A_10 = arith.constant 0 : i32
    %scan3A_11 = arith.constant 0 : i32
    %scan3A_12 = arith.constant 8 : i32
    %scan3A_13 = arith.addi %scan3A_11, %scan3A_12 : i32
    %scan3A_14 = arith.constant 1 : i32
    scf.for %scan3A_16 = %scan3A_11 to %scan3A_13 step %scan3A_14  : i32 {
      %and3A = arith.constant 1 : i32
      %and3A_17 = arith.andi %scan3A_16, %and3A : i32
      %mul3A_18 = arith.constant 16384 : i32
      %mul3A_19 = arith.muli %and3A_17, %mul3A_18 : i32
      %dma_start3A = tpu.memref_slice %arg4[%mul3A_19] : memref<32768xi32, #tpu.memory_space<vmem>> -> memref<16384xi32, #tpu.memory_space<vmem>>
      %dma_start3A_20 = arith.constant 0 : i32
      %dma_start3A_21 = tpu.memref_slice %arg2[%dma_start3A_20] : memref<2096136xf32, #tpu.memory_space<hbm>> -> memref<2096136xf32, #tpu.memory_space<hbm>>
      tpu.enqueue_indirect_dma source(%dma_start3A_21 : memref<2096136xf32, #tpu.memory_space<hbm>>) target(%arg5 : memref<16384xf32, #tpu.memory_space<vmem>>) offsets(%dma_start3A : memref<16384xi32, #tpu.memory_space<vmem>>) semaphore(%arg6 : memref<!tpu.dma_semaphore, #tpu.memory_space<semaphore_mem>>)
      %lt3A = arith.constant 7 : i32
      %lt3A_22 = arith.cmpi slt, %scan3A_16, %lt3A : i32
      %convert_element_type3A = arith.extui %lt3A_22 : i1 to i32
      %cond3A = arith.constant 0 : i32
      %cond3A_23 = arith.cmpi ne, %convert_element_type3A, %cond3A : i32
      scf.if %cond3A_23 {
        %add3A_31 = arith.constant 1 : i32
        %add3A_32 = arith.addi %scan3A_16, %add3A_31 : i32
        %sub3A = arith.constant 1 : i32
        %sub3A_33 = arith.subi %sub3A, %and3A_17 : i32
        %mul3A_34 = arith.constant 131072 : i32
        %mul3A_35 = arith.muli %add3A, %mul3A_34 : i32
        %mul3A_36 = arith.constant 16384 : i32
        %mul3A_37 = arith.muli %add3A_32, %mul3A_36 : i32
        %add3A_38 = arith.addi %mul3A_35, %mul3A_37 : i32
        %scan3A_39 = arith.constant 0 : i32
        %scan3A_40 = arith.constant 0 : i32
        %scan3A_41 = arith.constant 1024 : i32
        %scan3A_42 = arith.addi %scan3A_40, %scan3A_41 : i32
        %scan3A_43 = arith.constant 1 : i32
        scf.for %scan3A_45 = %scan3A_40 to %scan3A_42 step %scan3A_43  : i32 {
          %mul3A_46 = arith.constant 16 : i32
          %mul3A_47 = arith.muli %scan3A_45, %mul3A_46 : i32
          %add3A_48 = arith.addi %add3A_38, %mul3A_47 : i32
          %add3A_49 = vector.broadcast %add3A_48 : i32 to vector<16xi32>
          %add3A_50 = arith.addi %add3A_49, %iota3A : vector<16xi32>
          %shift_right_arithmetic3A = arith.constant 11 : i32
          %shift_right_arithmetic3A_51 = vector.broadcast %shift_right_arithmetic3A : i32 to vector<16xi32>
          %shift_right_arithmetic3A_52 = arith.shrsi %add3A_50, %shift_right_arithmetic3A_51 : vector<16xi32>
          %and3A_53 = arith.constant 2047 : i32
          %and3A_54 = vector.broadcast %and3A_53 : i32 to vector<16xi32>
          %and3A_55 = arith.andi %add3A_50, %and3A_54 : vector<16xi32>
          %sub3A_56 = arith.subi %and3A_55, %shift_right_arithmetic3A_52 : vector<16xi32>
          %shift_right_logical3A = arith.constant 31 : i32
          %shift_right_logical3A_57 = vector.broadcast %shift_right_logical3A : i32 to vector<16xi32>
          %shift_right_logical3A_58 = arith.shrui %sub3A_56, %shift_right_logical3A_57 : vector<16xi32>
          %and3A_59 = arith.constant 1 : i32
          %and3A_60 = vector.broadcast %and3A_59 : i32 to vector<16xi32>
          %and3A_61 = arith.andi %shift_right_logical3A_58, %and3A_60 : vector<16xi32>
          %sub3A_62 = arith.subi %shift_right_arithmetic3A_52, %and3A_61 : vector<16xi32>
          %sub3A_63 = arith.constant 4095 : i32
          %sub3A_64 = vector.broadcast %sub3A_63 : i32 to vector<16xi32>
          %sub3A_65 = arith.subi %sub3A_64, %and3A_55 : vector<16xi32>
          %mul3A_66 = arith.muli %and3A_55, %sub3A_65 : vector<16xi32>
          %shift_right_arithmetic3A_67 = arith.constant 1 : i32
          %shift_right_arithmetic3A_68 = vector.broadcast %shift_right_arithmetic3A_67 : i32 to vector<16xi32>
          %shift_right_arithmetic3A_69 = arith.shrsi %mul3A_66, %shift_right_arithmetic3A_68 : vector<16xi32>
          %add3A_70 = arith.addi %shift_right_arithmetic3A_69, %sub3A_62 : vector<16xi32>
          %add3A_71 = arith.addi %shift_right_arithmetic3A_52, %and3A_55 : vector<16xi32>
          %sub3A_72 = arith.constant 2048 : i32
          %sub3A_73 = vector.broadcast %sub3A_72 : i32 to vector<16xi32>
          %sub3A_74 = arith.subi %add3A_71, %sub3A_73 : vector<16xi32>
          %add3A_75 = arith.constant 1 : i32
          %add3A_76 = vector.broadcast %add3A_75 : i32 to vector<16xi32>
          %add3A_77 = arith.addi %sub3A_74, %add3A_76 : vector<16xi32>
          %sub3A_78 = arith.subi %add3A_77, %and3A_61 : vector<16xi32>
          %sub3A_79 = arith.constant 4095 : i32
          %sub3A_80 = vector.broadcast %sub3A_79 : i32 to vector<16xi32>
          %sub3A_81 = arith.subi %sub3A_80, %sub3A_78 : vector<16xi32>
          %mul3A_82 = arith.muli %sub3A_78, %sub3A_81 : vector<16xi32>
          %shift_right_arithmetic3A_83 = arith.constant 1 : i32
          %shift_right_arithmetic3A_84 = vector.broadcast %shift_right_arithmetic3A_83 : i32 to vector<16xi32>
          %shift_right_arithmetic3A_85 = arith.shrsi %mul3A_82, %shift_right_arithmetic3A_84 : vector<16xi32>
          %add3A_86 = arith.addi %shift_right_arithmetic3A_85, %and3A_55 : vector<16xi32>
          %sub3A_87 = arith.subi %add3A_86, %sub3A_78 : vector<16xi32>
          %sub3A_88 = arith.constant 1 : i32
          %sub3A_89 = vector.broadcast %sub3A_88 : i32 to vector<16xi32>
          %sub3A_90 = arith.subi %sub3A_87, %sub3A_89 : vector<16xi32>
          %eq3A = arith.cmpi eq, %shift_right_arithmetic3A_52, %and3A_55 : vector<16xi32>
          %sub3A_91 = arith.constant 2047 : i32
          %sub3A_92 = vector.broadcast %sub3A_91 : i32 to vector<16xi32>
          %sub3A_93 = arith.subi %sub3A_92, %and3A_55 : vector<16xi32>
          %lt3A_94 = arith.cmpi slt, %sub3A_62, %sub3A_93 : vector<16xi32>
          %select_n3A = arith.select %lt3A_94, %add3A_70, %sub3A_90 : vector<16xi1>, vector<16xi32>
          %jit3A = arith.constant 2096128 : i32
          %broadcast_in_dim3A = vector.broadcast %jit3A : i32 to vector<16xi32>
          %select_n3A_95 = arith.select %eq3A, %broadcast_in_dim3A, %select_n3A : vector<16xi1>, vector<16xi32>
          %mul3A_96 = arith.constant 16384 : i32
          %mul3A_97 = arith.muli %sub3A_33, %mul3A_96 : i32
          %mul3A_98 = arith.constant 16 : i32
          %mul3A_99 = arith.muli %scan3A_45, %mul3A_98 : i32
          %add3A_100 = arith.addi %mul3A_97, %mul3A_99 : i32
          %swap3A = arith.index_cast %add3A_100 : i32 to index
          %swap3A_101 = tpu.vector_load %arg4[%swap3A] {strides = array<i32>} : memref<32768xi32, #tpu.memory_space<vmem>>, vector<16xi32>,
          %swap3A_102 = vector.shape_cast %swap3A_101 : vector<16xi32> to vector<16xi32>
          %swap3A_103 = vector.shape_cast %select_n3A_95 : vector<16xi32> to vector<16xi32>
          tpu.vector_store %arg4[%swap3A], %swap3A_103 {strides = array<i32>} : memref<32768xi32, #tpu.memory_space<vmem>>, vector<16xi32>,
        }
        %scan3A_44 = arith.constant 1024 : i32
      } else {
      }
      %dma_wait3A = tpu.memref_slice %arg4[%mul3A_19] : memref<32768xi32, #tpu.memory_space<vmem>> -> memref<16384xi32, #tpu.memory_space<vmem>>
      %dma_wait3A_24 = arith.constant 0 : i32
      %dma_wait3A_25 = tpu.memref_slice %arg2[%dma_wait3A_24] : memref<2096136xf32, #tpu.memory_space<hbm>> -> memref<2096136xf32, #tpu.memory_space<hbm>>
      tpu.wait_indirect_dma semaphore(%arg6 : memref<!tpu.dma_semaphore, #tpu.memory_space<semaphore_mem>>) src(%dma_wait3A_25 : memref<2096136xf32, #tpu.memory_space<hbm>>) dst(%arg5 : memref<16384xf32, #tpu.memory_space<vmem>>)
      %mul3A_26 = arith.constant 131072 : i32
      %mul3A_27 = arith.muli %add3A, %mul3A_26 : i32
      %mul3A_28 = arith.constant 16384 : i32
      %mul3A_29 = arith.muli %scan3A_16, %mul3A_28 : i32
      %add3A_30 = arith.addi %mul3A_27, %mul3A_29 : i32
      "tpu.region"() ({
        %run_scoped3A = tpu.sem_alloc : memref<!tpu.dma_semaphore, #tpu.memory_space<semaphore_mem>>
        %dma_start3A_31 = tpu.memref_slice %arg3[%add3A_30] : memref<4194304xf32, #tpu.memory_space<hbm>> -> memref<16384xf32, #tpu.memory_space<hbm>>
        %dma_start3A_32 = tpu.memref_slice %arg3[%add3A_30] : memref<4194304xf32, #tpu.memory_space<hbm>> -> memref<16384xf32, #tpu.memory_space<hbm>>
        tpu.enqueue_dma source(%arg5 : memref<16384xf32, #tpu.memory_space<vmem>>) target(%dma_start3A_32 : memref<16384xf32, #tpu.memory_space<hbm>>) target_semaphore(%run_scoped3A : memref<!tpu.dma_semaphore, #tpu.memory_space<semaphore_mem>>)
        %dma_wait3A_33 = tpu.memref_slice %arg3[%add3A_30] : memref<4194304xf32, #tpu.memory_space<hbm>> -> memref<16384xf32, #tpu.memory_space<hbm>>
        %dma_wait3A_34 = tpu.memref_slice %arg3[%add3A_30] : memref<4194304xf32, #tpu.memory_space<hbm>> -> memref<16384xf32, #tpu.memory_space<hbm>>
        tpu.wait_dma2 semaphore(%run_scoped3A : memref<!tpu.dma_semaphore, #tpu.memory_space<semaphore_mem>>) src(%arg5 : memref<16384xf32, #tpu.memory_space<vmem>>) dst(%dma_wait3A_34 : memref<16384xf32, #tpu.memory_space<hbm>>)
        tpu.yield
      }) : () -> ()
    }
    %scan3A_15 = arith.constant 8 : i32
    return
  }
}

module attributes {stable_mosaic.version = 14 : i64} {
  func.func @_recurrence_body(%arg0: memref<2048x2048xbf16, #tpu.memory_space<vmem>>, %arg1: memref<1x2048xf32, #tpu.memory_space<vmem>>, %arg2: memref<32x512xf32, #tpu.memory_space<vmem>>, %arg3: memref<32x512xf32, #tpu.memory_space<vmem>>, %arg4: memref<32x2048xf32, #tpu.memory_space<vmem>>) attributes {dimension_semantics = [], scalar_prefetch = 0 : i64, scratch_operands = 1 : i64, tpu.core_type = #tpu.core_type<tc>} {
    %get3A = arith.constant 0 : index
    %get3A_0 = arith.constant 0 : index
    %get3A_1 = vector.load %arg2[%get3A, %get3A_0] : memref<32x512xf32, #tpu.memory_space<vmem>>, vector<32x512xf32>
    %convert_element_type3A = arith.truncf %get3A_1 : vector<32x512xf32> to vector<32x512xbf16>
    %get3A_2 = arith.constant 0 : index
    %get3A_3 = arith.constant 0 : index
    %get3A_4 = vector.load %arg0[%get3A_2, %get3A_3] : memref<2048x2048xbf16, #tpu.memory_space<vmem>>, vector<512x2048xbf16>
    %dot_general3A = arith.constant dense<0.000000e+00> : vector<32x2048xf32>
    %dot_general3A_5 = tpu.matmul %convert_element_type3A, %get3A_4, %dot_general3A {dimension_numbers = #tpu.dot_dimension_numbers<[1], [0], [0], [1], [0, 0, 1, 1], [], []>, transpose_lhs_hint = false} : vector<32x512xbf16>, vector<512x2048xbf16>, vector<32x2048xf32> -> vector<32x2048xf32>
    %swap3A = arith.constant 0 : index
    %swap3A_6 = arith.constant 0 : index
    %swap3A_7 = vector.load %arg4[%swap3A, %swap3A_6] : memref<32x2048xf32, #tpu.memory_space<vmem>>, vector<32x2048xf32>
    tpu.vector_store %arg4[%swap3A, %swap3A_6], %dot_general3A_5 {strides = array<i32>} : memref<32x2048xf32, #tpu.memory_space<vmem>>, vector<32x2048xf32>,
    %get3A_8 = arith.constant 0 : index
    %get3A_9 = arith.constant 0 : index
    %get3A_10 = vector.load %arg1[%get3A_8, %get3A_9] : memref<1x2048xf32, #tpu.memory_space<vmem>>, vector<1x2048xf32>
    %broadcast_in_dim3A = arith.constant 0.000000e+00 : f32
    %broadcast_in_dim3A_11 = vector.broadcast %broadcast_in_dim3A : f32 to vector<8x1536xf32>
    %scan3A = arith.constant 0 : i32
    %scan3A_12 = arith.constant 32 : i32
    %scan3A_13 = arith.addi %scan3A, %scan3A_12 : i32
    %scan3A_14 = arith.constant 1 : i32
    %scan3A_15 = scf.for %scan3A_17 = %scan3A to %scan3A_13 step %scan3A_14 iter_args(%scan3A_18 = %broadcast_in_dim3A_11) -> (vector<8x1536xf32>)  : i32 {
      %get3A_19 = arith.index_cast %scan3A_17 : i32 to index
      %get3A_20 = arith.constant 0 : index
      %get3A_21 = vector.load %arg4[%get3A_19, %get3A_20] : memref<32x2048xf32, #tpu.memory_space<vmem>>, vector<1x2048xf32>
      %convert_element_type3A_22 = arith.truncf %scan3A_18 : vector<8x1536xf32> to vector<8x1536xbf16>
      %get3A_23 = arith.constant 512 : index
      %get3A_24 = arith.constant 0 : index
      %get3A_25 = vector.load %arg0[%get3A_23, %get3A_24] : memref<2048x2048xbf16, #tpu.memory_space<vmem>>, vector<1536x2048xbf16>
      %dot_general3A_26 = arith.constant dense<0.000000e+00> : vector<8x2048xf32>
      %dot_general3A_27 = tpu.matmul %convert_element_type3A_22, %get3A_25, %dot_general3A_26 {dimension_numbers = #tpu.dot_dimension_numbers<[1], [0], [0], [1], [0, 0, 1, 1], [], []>, transpose_lhs_hint = false} : vector<8x1536xbf16>, vector<1536x2048xbf16>, vector<8x2048xf32> -> vector<8x2048xf32>
      %add3A = vector.broadcast %get3A_21 : vector<1x2048xf32> to vector<8x2048xf32>
      %add3A_28 = arith.addf %add3A, %dot_general3A_27 : vector<8x2048xf32>
      %add3A_29 = vector.broadcast %get3A_10 : vector<1x2048xf32> to vector<8x2048xf32>
      %add3A_30 = arith.addf %add3A_28, %add3A_29 : vector<8x2048xf32>
      %tanh3A = math.tanh %add3A_30 : vector<8x2048xf32>
      %convert_element_type3A_31 = arith.truncf %tanh3A : vector<8x2048xf32> to vector<8x2048xbf16>
      %get3A_32 = arith.constant 0 : index
      %get3A_33 = arith.constant 0 : index
      %get3A_34 = vector.load %arg0[%get3A_32, %get3A_33] : memref<2048x2048xbf16, #tpu.memory_space<vmem>>, vector<2048x2048xbf16>
      %dot_general3A_35 = arith.constant dense<0.000000e+00> : vector<8x2048xf32>
      %dot_general3A_36 = tpu.matmul %convert_element_type3A_31, %get3A_34, %dot_general3A_35 {dimension_numbers = #tpu.dot_dimension_numbers<[1], [0], [0], [1], [0, 0, 1, 1], [], []>, transpose_lhs_hint = false} : vector<8x2048xbf16>, vector<2048x2048xbf16>, vector<8x2048xf32> -> vector<8x2048xf32>
      %add3A_37 = vector.broadcast %get3A_10 : vector<1x2048xf32> to vector<8x2048xf32>
      %add3A_38 = arith.addf %dot_general3A_36, %add3A_37 : vector<8x2048xf32>
      %tanh3A_39 = math.tanh %add3A_38 : vector<8x2048xf32>
      %convert_element_type3A_40 = arith.truncf %tanh3A_39 : vector<8x2048xf32> to vector<8x2048xbf16>
      %get3A_41 = arith.constant 0 : index
      %get3A_42 = arith.constant 0 : index
      %get3A_43 = vector.load %arg0[%get3A_41, %get3A_42] : memref<2048x2048xbf16, #tpu.memory_space<vmem>>, vector<2048x2048xbf16>
      %dot_general3A_44 = arith.constant dense<0.000000e+00> : vector<8x2048xf32>
      %dot_general3A_45 = tpu.matmul %convert_element_type3A_40, %get3A_43, %dot_general3A_44 {dimension_numbers = #tpu.dot_dimension_numbers<[1], [0], [0], [1], [0, 0, 1, 1], [], []>, transpose_lhs_hint = false} : vector<8x2048xbf16>, vector<2048x2048xbf16>, vector<8x2048xf32> -> vector<8x2048xf32>
      %add3A_46 = vector.broadcast %get3A_10 : vector<1x2048xf32> to vector<8x2048xf32>
      %add3A_47 = arith.addf %dot_general3A_45, %add3A_46 : vector<8x2048xf32>
      %tanh3A_48 = math.tanh %add3A_47 : vector<8x2048xf32>
      %convert_element_type3A_49 = arith.truncf %tanh3A_48 : vector<8x2048xf32> to vector<8x2048xbf16>
      %get3A_50 = arith.constant 0 : index
      %get3A_51 = arith.constant 512 : index
      %get3A_52 = vector.load %arg0[%get3A_50, %get3A_51] : memref<2048x2048xbf16, #tpu.memory_space<vmem>>, vector<2048x1536xbf16>
      %dot_general3A_53 = arith.constant dense<0.000000e+00> : vector<8x1536xf32>
      %dot_general3A_54 = tpu.matmul %convert_element_type3A_49, %get3A_52, %dot_general3A_53 {dimension_numbers = #tpu.dot_dimension_numbers<[1], [0], [0], [1], [0, 0, 1, 1], [], []>, transpose_lhs_hint = false} : vector<8x2048xbf16>, vector<2048x1536xbf16>, vector<8x1536xf32> -> vector<8x1536xf32>
      %slice3A = vector.extract_strided_slice %get3A_10 {offsets = [0, 512], sizes = [1, 1536], strides = [1, 1]} : vector<1x2048xf32> to vector<1x1536xf32>
      %add3A_55 = vector.broadcast %slice3A : vector<1x1536xf32> to vector<8x1536xf32>
      %add3A_56 = arith.addf %dot_general3A_54, %add3A_55 : vector<8x1536xf32>
      %tanh3A_57 = math.tanh %add3A_56 : vector<8x1536xf32>
      %slice3A_58 = vector.extract_strided_slice %tanh3A_57 {offsets = [0, 1024], sizes = [1, 512], strides = [1, 1]} : vector<8x1536xf32> to vector<1x512xf32>
      %swap3A_59 = arith.index_cast %scan3A_17 : i32 to index
      %swap3A_60 = arith.constant 0 : index
      %swap3A_61 = vector.load %arg3[%swap3A_59, %swap3A_60] : memref<32x512xf32, #tpu.memory_space<vmem>>, vector<1x512xf32>
      tpu.vector_store %arg3[%swap3A_59, %swap3A_60], %slice3A_58 {strides = array<i32>} : memref<32x512xf32, #tpu.memory_space<vmem>>, vector<1x512xf32>,
      scf.yield %tanh3A_57 : vector<8x1536xf32>
    }
    %scan3A_16 = arith.constant 32 : i32
    return
  }
}

</mosaic_0001>

<sc_bundles>
// kernel: kernel.4.cloned.1.call-start
scs
__scs_entry_jumppad:
0x0: {  	(pc) =	sbr.rel $0x88, $3  }
0x1: {  	(tag) =	ssettag $0x0;
	lr =	simm.s32 $0x1  }
0x2: {  	[smem:$0x3F9E] =	sst lr;
	_ =	strace $0xD0000000  }
0x3: {  	_ = 	snop  }
0x4: {  	_ = 	snop  }
0x5: {  	_ = 	snop  }
0x6: {  	_ = 	snop  }
0x7: {  	_ = 	snop  }
__scs_overlays_trampoline_lowered:
0x8: {  	[smem:$0x3FAD] =	sst s0  }
0x9: {  	[smem:$0x3FAE] =	sst s1  }
0xa: {  	[smem:$0x3FAF] =	sst s2  }
0xb: {  	[smem:$0x3FB0] =	sst s3  }
0xc: {  	[smem:$0x3FB1] =	sst s4  }
0xd: {  	[smem:$0x3FB2] =	sst s5  }
0xe: {  	[smem:$0x3FB3] =	sst s6  }
0xf: {  	[smem:$0x3FB4] =	sst s7  }
0x10: {  	[smem:$0x3FB5] =	sst s8  }
0x11: {  	[smem:$0x3FB6] =	sst s9;
	s0 =	simm.s32 @!p0 $0x0  }
0x12: {  	s1 =	sld [smem:$0x3F9C];
	s0 =	simm.s32 @p0 $0x1  }
0x13: {  	[smem:$0x3FB7] =	sst s0;
	s0 =	simm.s32 @!p1 $0x0  }
0x14: {  	s2 =	sld [smem:$0x3F9B];
	s0 =	simm.s32 @p1 $0x1  }
0x15: {  	[smem:$0x3FB8] =	sst s0;
	s0 =	simm.s32 @!p2 $0x0  }
0x16: {  	s3 =	sld [smem:$0x3FDB];
	s0 =	simm.s32 @p2 $0x1  }
0x17: {  	s4 =	simm.s32 $0x1BF5;
	[smem:$0x3FBA] =	sst s0  }
0x18: {  	s0 =	sld [smem:$0x3F9D];
	_ =	swait.ge [sflag:s4], $0x0  }
0x19: {  	s7 =	sld [smem:$0x3F9E]  }
0x1a: {  	s8 =	sadd.s32 $0xFFFFE003, lr  }
0x1b: {  	s9 =	sadd.s32 $0xFFFFFEF7, lr;
	s5 =	simm.s32 $0xFFFFFFFF;
	p2 =	slt.u32 s8, $0xFFFFF086  }
0x1c: {  	p1 =	slt.u32 s9, $0xF7A;
	s5 =	simm.s32 @!p2 $0x0  }
0x1d: {  	s5 =	simm.s32 @p1 $0x1;
	p0 =	seq.s32 s7, s2  }
0x1e: {  	s7 =	smul.u32 @!p0 $0xF7A, s2;
	p2 =	seq.s32 @!p0 s5, $0x0  }
0x1f: {  	s9 =	smul.u32 $0xF7A, s1;
	s8 =	simm.s32 @!p0 $0x1BF5;
	p2 =	por !p2, p0  }
0x20: {  	[sflag:s8] =	ssyncset.s32 @!p0 $0xFFFFF086;
	s6 =	sadd.s32 @!p0 s3, s7;
	s7 =	simm.s32 @!p0 $0x108  }
0x21: {  	s3 =	sadd.s32 s3, s9;
	s6 =	sadd.s32 @!p0 $0x88, s6;
	s7 =	simm.s32 @p2 $0x1082  }
0x22: {  	[simem:s7], [sflag:s8] =	dma.local @!p0 [hbm:s6], $0xF7A  }
0x23: {  	s9 =	sor.u32 $0xD0000000, s2;
	s6 =	simm.s32 $0x108;
	_ =	swait.ge @!p0 [sflag:s8], $0x0  }
0x24: {  	s3 =	sadd.s32 $0x88, s3;
	s6 =	simm.s32 @!p1 $0x1082;
	[sflag:s4] =	ssyncset.s32 $0xFFFFF086  }
0x25: {  	[simem:s6], [sflag:s4] =	dma.local [hbm:s3], $0xF7A  }
0x26: {  	[smem:$0x3F9E] =	sst s1;
	(tag) =	ssettag s2;
	_ =	strace s9  }
0x27: {  	s1 =	sld [smem:$0x3FAE]  }
0x28: {  	s2 =	sld [smem:$0x3FAF]  }
0x29: {  	s4 =	sld [smem:$0x3FB1]  }
0x2a: {  	p0 =	seq.s32 s5, $0x0;
	s5 =	sld [smem:$0x3FB2]  }
0x2b: {  	s6 =	sld [smem:$0x3FB3]  }
0x2c: {  	s7 =	sld [smem:$0x3FB4]  }
0x2d: {  	s3 =	simm.s32 $0x108;
	s8 =	sld [smem:$0x3FB5]  }
0x2e: {  	s3 =	simm.s32 @!p0 $0x1082;
	s9 =	sld [smem:$0x3FB6]  }
0x2f: {  	lr =	sadd.s32 s0, s3;
	s0 =	sld [smem:$0x3FAD]  }
0x30: {  	s3 =	sld [smem:$0x3FB0]  }
0x31: {  	[smem:$0x3FB9] =	sst s10  }
0x32: {  	s10 =	sld [smem:$0x3FB7];
	_ =	sdelay $0x3  }
0x33: {  	p0 =	seq.s32 s10, $0x1;
	s10 =	sld [smem:$0x3FB9];
	_ =	sdelay $0x3  }
0x34: {  	[smem:$0x3FB9] =	sst s10  }
0x35: {  	s10 =	sld [smem:$0x3FB8];
	_ =	sdelay $0x3  }
0x36: {  	p1 =	seq.s32 s10, $0x1;
	s10 =	sld [smem:$0x3FB9];
	_ =	sdelay $0x3  }
0x37: {  	[smem:$0x3FB9] =	sst s10  }
0x38: {  	s10 =	sld [smem:$0x3FBA]  }
0x39: {  	_ = 	snop;
	(pc) =	sbr.ind lr, $3  }
0x3a: {  	_ = 	snop  }
0x3b: {  	_ = 	snop  }
0x3c: {  	p2 =	seq.s32 s10, $0x1;
	s10 =	sld [smem:$0x3FB9]  }
0x3d: {  	_ =	shalt  }
0x3e: {  	_ =	shalt  }
0x3f: {  	_ =	shalt  }
0x40: {  	_ =	shalt  }
0x41: {  	_ =	shalt  }
0x42: {  	_ =	shalt  }
0x43: {  	_ =	shalt  }
0x44: {  	_ =	shalt  }
0x45: {  	_ =	shalt  }
0x46: {  	_ =	shalt  }
0x47: {  	_ =	shalt  }
0x48: {  	_ =	shalt  }
0x49: {  	_ =	shalt  }
0x4a: {  	_ =	shalt  }
0x4b: {  	_ =	shalt  }
0x4c: {  	_ =	shalt  }
0x4d: {  	_ =	shalt  }
0x4e: {  	_ =	shalt  }
0x4f: {  	_ =	shalt  }
0x50: {  	_ =	shalt  }
0x51: {  	_ =	shalt  }
0x52: {  	_ =	shalt  }
0x53: {  	_ =	shalt  }
0x54: {  	_ =	shalt  }
0x55: {  	_ =	shalt  }
0x56: {  	_ =	shalt  }
0x57: {  	_ =	shalt  }
0x58: {  	_ =	shalt  }
0x59: {  	_ =	shalt  }
0x5a: {  	_ =	shalt  }
0x5b: {  	_ =	shalt  }
0x5c: {  	_ =	shalt  }
0x5d: {  	_ =	shalt  }
0x5e: {  	_ =	shalt  }
0x5f: {  	_ =	shalt  }
0x60: {  	_ =	shalt  }
0x61: {  	_ =	shalt  }
0x62: {  	_ =	shalt  }
0x63: {  	_ =	shalt  }
0x64: {  	_ =	shalt  }
0x65: {  	_ =	shalt  }
0x66: {  	_ =	shalt  }
0x67: {  	_ =	shalt  }
0x68: {  	_ =	shalt  }
0x69: {  	_ =	shalt  }
0x6a: {  	_ =	shalt  }
0x6b: {  	_ =	shalt  }
0x6c: {  	_ =	shalt  }
0x6d: {  	_ =	shalt  }
0x6e: {  	_ =	shalt  }
0x6f: {  	_ =	shalt  }
0x70: {  	_ =	shalt  }
0x71: {  	_ =	shalt  }
0x72: {  	_ =	shalt  }
0x73: {  	_ =	shalt  }
0x74: {  	_ =	shalt  }
0x75: {  	_ =	shalt  }
0x76: {  	_ =	shalt  }
0x77: {  	_ =	shalt  }
0x78: {  	_ =	shalt  }
0x79: {  	_ =	shalt  }
0x7a: {  	_ =	shalt  }
0x7b: {  	_ =	shalt  }
0x7c: {  	_ =	shalt  }
0x7d: {  	_ =	shalt  }
0x7e: {  	_ =	shalt  }
0x7f: {  	_ =	shalt  }
0x80: {  	_ =	shalt  }
0x81: {  	_ =	shalt  }
0x82: {  	_ =	shalt  }
0x83: {  	_ =	shalt  }
0x84: {  	_ =	shalt  }
0x85: {  	_ =	shalt  }
0x86: {  	_ =	shalt  }
0x87: {  	_ =	shalt  }
.Lfunc_end0:
.L_simem_size_0:
called_computation_lowered:
.L_overlay_start_0:
0x88: {  	s2 =	sld [smem:$0x3FD9]  }
0x89: {  	s3 =	sld [smem:$0x3FFE];
	_ =	sdelay $0x1  }
0x8a: {  	s1 =	srdreg.scid  }
0x8b: {  	s0 =	sand.u32 $0x1, s1  }
0x8c: {  	s16 =	sshll.u32 s0, $0xA;
	s2 =	sadd.s32 s3, s2  }
0x8d: {  	s2 =	sadd.s32 s2, s16  }
0x8e: {  	[smem:$0x3FC5] =	sst s2  }
0x8f: {  	_ = 	snop  }
0x90: {  	(tm) =	ssettm $0x1  }
0x91: {  	s17 =	sld [smem:$0x3FFB];
	_ =	sdelay $0x3  }
0x92: {  	_ =	strace s17  }
0x93: {  	s2 =	sld [smem:$0x3FFC];
	_ =	sdelay $0x3  }
0x94: {  	_ =	strace s2  }
0x95: {  	s2 =	sld [smem:$0x3FFD];
	_ =	sdelay $0x3  }
0x96: {  	_ =	strace s2  }
0x97: {  	_ =	strace $0x8FFFFFFF  }
0x98: {  	s18 =	sld [smem:$0x3FDB];
	_ =	sdelay $0x1  }
0x99: {  	s19 =	simm.s32 $_scs_section_size  }
0x9a: {  	s4 =	simm.s32 $_size__tile_overlayer_lowered;
	s5 =	simm.s32 $_tile_overlayer_lowered  }
0x9b: {  	s22 =	simm.s32 $0x1BFF;
	s21 =	sshll.u32 s5, $0x1;
	s2 =	sadd.s32 s19, s18  }
0x9c: {  	s6 =	simm.s32 $0x0;
	s20 =	sshll.u32 s4, $0x1;
	s4 =	sadd.s32 s21, s2  }
0x9d: {  	[timem:s6], [sflag:s22] =	dma.local [hbm:s4], s20  }
0x9e: {  	_ =	swait.ge [sflag:s22], s20  }
0x9f: {  	s3 =	ssub.s32 $0x0, s20;
	[sflag:s22] =	ssyncset.done $0x0  }
0xa0: {  	[sflag:s22] =	ssyncadd.s32 s3;
	_ =	sdelay $0x1  }
0xa1: {  	s23 =	simm.s32 $0x1B8B  }
0xa2: {  	_ =	swait.ge [sflag:s23], $0x1  }
0xa3: {  	[sflag:s23] =	ssyncset.done $0x0  }
0xa4: {  	s25 =	simm.s32 $0x1B8E;
	s24 =	sld [smem:$0x3FFE];
	[sflag:s23] =	ssyncadd.s32 $0xFFFFFFFF  }
0xa5: {  	s26 =	simm.s32 $execute0_lowered;
	[smem:$0x3FD2] =	sst s25  }
0xa6: {  	s4 =	sshll.u32 s26, $0x1;
	_ =	strace $0x80000046;
	[dreg:$0x1] =	wrdreg $0xFFFFFFFF  }
0xa7: {  	s28 =	simm.s32 $_size_execute0_lowered;
	s2 =	sadd.s32 s2, s4;
	[dreg:$0x0] =	wrdreg $0x0  }
0xa8: {  	s4 =	sshll.u32 s28, $0x1;
	[dreg:$0x2] =	wrdreg s2  }
0xa9: {  	[dreg:$0x3] =	wrdreg s4  }
0xaa: {  	[dreg:$0x4] =	wrdreg $0xC0  }
0xab: {  	_ =	task [dreg:s6], $0x5FFFF  }
0xac: {  	[dreg:$0x1] =	wrdreg $0xFFFFFFFF  }
0xad: {  	[dreg:$0x0] =	wrdreg $0x60  }
0xae: {  	[dreg:$0x2] =	wrdreg s24  }
0xaf: {  	[dreg:$0x3] =	wrdreg $0x9  }
0xb0: {  	_ =	task.clear_ibuf [dreg:s6], $0x4FFFF;
	_ =	strace $0x90000046  }
0xb1: {  	s29 =	simm.s32 $0x9;
	_ =	strace $0x80000048  }
0xb2: {  	_ =	swait.ge [sflag:s29], $0x1  }
0xb3: {  	[sflag:s29] =	ssyncadd.s32 $0xFFFFFFFF  }
0xb4: {  	_ =	strace $0x90000048  }
0xb5: {  	_ =	sfence  }
0xb6: {  	s30 =	sld [smem:$0x0];
	_ =	sdelay $0x2  }
0xb7: {  	s31 =	sshll.u32 s1, $0xD;
	s1 =	sshrl.u32 s1, $0x2  }
0xb8: {  	s3 =	sand.u32 $0x4000, s31;
	s1 =	sadd.s32 s1, s30  }
0xb9: {  	s0 =	sor.u32 s3, s0;
	s1 =	sshll.u32 s1, $0x11  }
0xba: {  	s0 =	sor.u32 s1, s0  }
0xbb: {  	s0 =	sadd.s32 $0x8F2B, s0  }
0xbc: {  	[sflag:s0] =	ssyncadd.remote.s32 $0x1  }
0xbd: {  	_ =	sfence.sel $0xFFFF  }
0xbe: {  	[dreg:$0x0] =	wrdreg $0xFFFFFFFF;
	(pc) =	sbr.abs _section_cstart, $3  }
0xbf: {  	[dreg:$0x1] =	wrdreg $0xFFFFFFFF  }
0xc0: {  	_ =	task.clear_ibuf [dreg:s6], $0x2FFFF;
	_ =	strace $0x9FFFFFFF  }
0xc1: {  	(tm) =	ssettm $0x7FFFFFFF  }
tec
execute0_lowered:
.L_overlay_start_1:
0x0: {  	(tag) =	ssettag $0x1  }
0x1: {  	s4 =	rddreg [dreg:$0x0]  }
0x2: {  	s0 =	rddreg [dreg:$0x1];
	s1 =	simm.s32 $0x0  }
0x3: {  	s2 =	srdreg.scid;
	s8 =	simm.s32 $0x4000;
	s9 =	simm.s32 $0x8000  }
0x4: {  	s10 =	simm.s32 $0x1;
	s11 =	simm.s32 $0x2;
	s12 =	simm.s32 $0x0  }
.Ltmp0:
0x5: {  	[smem:$0x7FF] =	sst s1;
	s5 =	sand.u32 $0x1, s2;
	(pc) =	sbr.rel .LBB2_1-.Ltmp0, $4  }
0x6: {  	s3 =	sadd.s32 $0x800, s4;
	s2 =	stileid.u32;
	s6 =	ssub.s32 $0x2, s5  }
0x7: {  	s31 =	sshll.u32 s2, $0x12;
	s5 =	sshll.u32 s5, $0x11;
	s7 =	sshrl.u32 s6, $0x1  }
0x8: {  	s4 =	sadd.s32 $0x40800, s4;
	s5 =	sor.u32 s5, s31;
	s6 =	ssub.s32 s6, s7  }
0x9: {  	v0 =	vlaneseq.u32;
	v1 =	vimm.s32 $0x0;
	_ =	strace $0x80000047;
	s7 =	sor.u32 $0x4000, s5;
	s6 =	smax.u32 s6, $0x1  }
.LBB2_9:
0xa: {  	s12 =	sadd.s32 $0x1, s12  }
0xb: {  	p0 =	sne.s32 s12, s6  }
.Ltmp1:
0xc: {  	_ = 	snop;
	(pc) =	sbr.rel @!p0 .LBB2_10-.Ltmp1, $1  }
0xd: {  	_ =	sdelay $0x3  }
.LBB2_1:
0xe: {  	v2 =	vmov s5;
	v4 =	vor.u32 s5, v0  }
0xf: {  	v3 =	vshrl.u32 v2, $0xB;
	v4 =	vand.u32 $0x7FF, v4  }
0x10: {  	vm0 =	vlt.u32 v4, v3  }
0x11: {  	s15 =	sadd.s32 $0x10, s5;
	v2 =	vsel vm0, $0xFFFFFFFF, v1  }
0x12: {  	v5 =	vmov s15;
	v6 =	vadd.s32 v2, v3  }
0x13: {  	v7 =	vor.u32 s15, v0;
	v2 =	vshrl.u32 v5, $0xB;
	v5 =	vadd.s32 v4, v6  }
0x14: {  	v8 =	vxor.u32 $0xFFF, v4;
	v9 =	vadd.s32 $0xFFFFF801, v5;
	v10 =	vsub.s32 $0x17FE, v5  }
0x15: {  	v8 =	vmul.u32 v4, v8;
	v5 =	vand.u32 $0x7FF, v7;
	v7 =	vmul.u32 v9, v10  }
0x16: {  	s13 =	simm.s32 $0x40;
	s16 =	simm.s32 $0x80;
	s14 =	simm.s32 $0x0;
	vm0 =	vlt.u32 v5, v2;
	v9 =	vxor.u32 $0xFFFFFFFF, v9;
	v10 =	vxor.u32 $0x7FF, v4  }
.LBB2_2:
0x17: {  	p0 =	sne.s32 s16, $0xFFC0;
	v8 =	vshrl.u32 v8, $0x1;
	v7 =	vshra.s32 v7, $0x1;
	v9 =	vadd.s32 v9, v4  }
0x18: {  	vm1 =	vlt.s32 v6, v10;
	v8 =	vadd.s32 v6, v8;
	v7 =	vadd.s32 v7, v9  }
0x19: {  	s15 =	sadd.s32 $0x10, s15;
	v6 =	vsel vm0, $0xFFFFFFFF, v1;
	vm0 =	veq.s32 v3, v4;
	v3 =	vmovc v2;
	v4 =	vmovc v5;
	v7 =	vsel vm1, v8, v7  }
.Ltmp2:
0x1a: {  	s17 =	sshra.s32 s14, $0x2;
	s14 =	smov.u32 s13;
	v2 =	vmov s15;
	v6 =	vadd.s32 v6, v3;
	v5 =	vsel vm0, $0x1FFC00, v7;
	(pc) =	sbr.rel @p0 .LBB2_2-.Ltmp2, $4  }
0x1b: {  	s13 =	smov.u32 s16;
	v2 =	vshrl.u32 v2, $0xB;
	v7 =	vor.u32 s15, v0;
	v8 =	vadd.s32 v4, v6;
	[tilespmem:s17+$0x0] =	vst v5  }
0x1c: {  	v9 =	vxor.u32 $0xFFF, v4;
	v10 =	vadd.s32 $0xFFFFF801, v8;
	v11 =	vsub.s32 $0x17FE, v8  }
0x1d: {  	v5 =	vand.u32 $0x7FF, v7;
	v8 =	vmul.u32 v4, v9;
	v7 =	vmul.u32 v10, v11  }
0x1e: {  	s16 =	sadd.s32 $0x40, s16;
	vm0 =	vlt.u32 v5, v2;
	v9 =	vxor.u32 $0xFFFFFFFF, v10;
	v10 =	vxor.u32 $0x7FF, v4  }
0x1f: {  	v8 =	vshrl.u32 v8, $0x1;
	vm1 =	vlt.s32 v6, v10;
	v58 =	vsel vm0, $0xFFFFFFFF, v1  }
0x20: {  	v7 =	vshra.s32 v7, $0x1;
	v9 =	vadd.s32 v9, v4;
	v10 =	vadd.s32 v58, v2  }
0x21: {  	vm13 =	veq.s32 v3, v4;
	v60 =	vxor.u32 $0xFFF, v5;
	v3 =	vadd.s32 v5, v10  }
0x22: {  	v59 =	vadd.s32 v6, v8;
	v61 =	vadd.s32 $0xFFFFF801, v3;
	v3 =	vsub.s32 $0x17FE, v3  }
0x23: {  	v7 =	vadd.s32 v7, v9;
	v4 =	vmul.u32 v5, v60;
	v3 =	vmul.u32 v61, v3  }
0x24: {  	v63 =	vxor.u32 $0x7FF, v5;
	v6 =	vsel vm1, v59, v7;
	v62 =	vxor.u32 $0xFFFFFFFF, v61  }
.Ltmp3:
0x25: {  	v4 =	vshrl.u32 v4, $0x1;
	v7 =	vadd.s32 v62, v5;
	v3 =	vshra.s32 v3, $0x1;
	(pc) =	sbr.rel .LBB2_4-.Ltmp3, $4  }
0x26: {  	vm14 =	vlt.s32 v10, v63;
	v4 =	vadd.s32 v10, v4;
	v3 =	vadd.s32 v3, v7  }
0x27: {  	s14 =	sshra.s32 s14, $0x2;
	vm15 =	veq.s32 v2, v5;
	v6 =	vsel vm13, $0x1FFC00, v6;
	v2 =	vsel vm14, v4, v3  }
0x28: {  	s13 =	sshra.s32 s13, $0x2;
	[tilespmem:s14+$0x0] =	vst v6;
	v2 =	vsel vm15, $0x1FFC00, v2  }
0x29: {  	s15 =	simm.s32 $0x0;
	s14 =	smov.u32 s7;
	[tilespmem:s13+$0x0] =	vst v2;
	s13 =	simm.s32 $0x0  }
.LBB2_8:
0x2a: {  	_ =	swait.ge [sflag:s10], $0x4000;
	s16 =	sadd.s32 s5, s17;
	s15 =	sadd.s32 $0x1, s15  }
0x2b: {  	[sflag:s10] =	ssyncset.done $0x0;
	s16 =	sshrl.u32 s16, $0x3;
	p0 =	sne.s32 s15, $0x8  }
.Ltmp4:
0x2c: {  	[sflag:s10] =	ssyncadd.s32 $0xFFFFC000;
	s16 =	sadd.s32 s4, s16;
	(pc) =	sbr.rel @!p0 .LBB2_9-.Ltmp4, $4  }
0x2d: {  	[hbm4b:s16+s1] =	stream.linear.scatter [tilespmem:s9], [sflag:$0x2], $0x4000, $0x38;
	[tilespmem:$0xC000] =	vst v63  }
0x2e: {  	_ =	swait.ge [sflag:s11], $0x4000  }
0x2f: {  	[sflag:s11] =	ssyncset.done $0x0  }
0x30: {  	s14 =	sadd.s32 $0x4000, s14;
	s13 =	sadd.s32 $0x4000, s13;
	[sflag:s11] =	ssyncadd.s32 $0xFFFFC000  }
.LBB2_4:
0x31: {  	p0 =	seq.s32 s15, $0x7  }
.Ltmp5:
0x32: {  	_ = 	snop;
	(pc) =	sbr.rel @p0 .LBB2_8-.Ltmp5, $4  }
0x33: {  	s16 =	sshll.u32 s15, $0xE  }
0x34: {  	s17 =	sand.u32 $0x4000, s16  }
0x35: {  	[tilespmem:s9], [sflag:$0x1] =	stream.indirect.gather [hbm4b:s3+s8], $0x1, s17, s8, $0xb8;
	[tilespmem:$0xC000] =	vst v63  }
0x36: {  	s17 =	simm.s32 $0x1C000  }
0x37: {  	s17 =	sadd.s32 $0x0, s14  }
0x38: {  	v2 =	vmov s17;
	v3 =	vor.u32 s17, v0  }
0x39: {  	v4 =	vshrl.u32 v2, $0xB;
	v5 =	vand.u32 $0x7FF, v3  }
0x3a: {  	vm0 =	vlt.u32 v5, v4  }
0x3b: {  	s31 =	sadd.s32 $0x10, s14;
	v2 =	vsel vm0, $0xFFFFFFFF, v1  }
0x3c: {  	v3 =	vmov s31;
	v6 =	vadd.s32 v2, v4  }
0x3d: {  	v8 =	vor.u32 s31, v0;
	v2 =	vshrl.u32 v3, $0xB;
	v3 =	vadd.s32 v5, v6  }
0x3e: {  	v9 =	vxor.u32 $0xFFF, v5;
	v7 =	vadd.s32 $0xFFFFF801, v3;
	v10 =	vsub.s32 $0x17FE, v3  }
0x3f: {  	s18 =	simm.s32 $0x0;
	s19 =	simm.s32 $0x20;
	s17 =	simm.s32 $0x10;
	v9 =	vmul.u32 v5, v9;
	v3 =	vand.u32 $0x7FF, v8;
	v8 =	vmul.u32 v7, v10  }
.LBB2_6:
0x40: {  	p0 =	sne.s32 s19, $0x3FF0;
	vm0 =	vlt.u32 v3, v2;
	v7 =	vxor.u32 $0xFFFFFFFF, v7;
	v10 =	vxor.u32 $0x7FF, v5  }
0x41: {  	s20 =	sadd.s32 s18, s13;
	v9 =	vshrl.u32 v9, $0x1;
	v8 =	vshra.s32 v8, $0x1;
	v7 =	vadd.s32 v7, v5  }
0x42: {  	s21 =	sadd.s32 s19, s14;
	vm1 =	vlt.s32 v6, v10;
	s20 =	sand.u32 $0x7F80, s20;
	v9 =	vadd.s32 v6, v9;
	v7 =	vadd.s32 v8, v7  }
.Ltmp6:
0x43: {  	s18 =	sand.u32 $0x70, s18;
	v6 =	vsel vm0, $0xFFFFFFFF, v1;
	vm0 =	veq.s32 v4, v5;
	s20 =	sxor.u32 $0x4000, s20;
	v9 =	vsel vm1, v9, v7;
	(pc) =	sbr.rel @p0 .LBB2_6-.Ltmp6, $4  }
0x44: {  	v4 =	vmovc v2;
	v5 =	vmovc v3;
	v7 =	vmov s21;
	v6 =	vadd.s32 v6, v2;
	s20 =	sor.u32 s18, s20;
	s18 =	smov.u32 s17;
	s17 =	smov.u32 s19;
	v8 =	vsel vm0, $0x1FFC00, v9  }
0x45: {  	v3 =	vor.u32 s21, v0;
	v2 =	vshrl.u32 v7, $0xB;
	v9 =	vadd.s32 v5, v6;
	[tilespmem:s20+$0x0] =	vst v8  }
0x46: {  	v8 =	vxor.u32 $0xFFF, v5;
	v7 =	vadd.s32 $0xFFFFF801, v9;
	v10 =	vsub.s32 $0x17FE, v9  }
0x47: {  	v3 =	vand.u32 $0x7FF, v3;
	s19 =	sadd.s32 $0x10, s19;
	v9 =	vmul.u32 v5, v8;
	v8 =	vmul.u32 v7, v10  }
0x48: {  	vm0 =	vlt.u32 v3, v2;
	v7 =	vxor.u32 $0xFFFFFFFF, v7;
	v10 =	vxor.u32 $0x7FF, v5  }
0x49: {  	vm13 =	veq.s32 v4, v5;
	v60 =	vxor.u32 $0xFFF, v3;
	v57 =	vsel vm0, $0xFFFFFFFF, v1  }
0x4a: {  	v9 =	vshrl.u32 v9, $0x1;
	vm1 =	vlt.s32 v6, v10;
	v10 =	vadd.s32 v57, v2  }
0x4b: {  	v8 =	vshra.s32 v8, $0x1;
	v7 =	vadd.s32 v7, v5;
	v59 =	vadd.s32 v3, v10  }
0x4c: {  	v5 =	vmul.u32 v3, v60;
	v61 =	vadd.s32 $0xFFFFF801, v59;
	v4 =	vsub.s32 $0x17FE, v59  }
0x4d: {  	v58 =	vadd.s32 v6, v9;
	v7 =	vadd.s32 v8, v7;
	v4 =	vmul.u32 v61, v4  }
0x4e: {  	s19 =	sadd.s32 s18, s13;
	v63 =	vxor.u32 $0x7FF, v3;
	v6 =	vsel vm1, v58, v7;
	v62 =	vxor.u32 $0xFFFFFFFF, v61  }
.Ltmp7:
0x4f: {  	s20 =	sadd.s32 s17, s13;
	s19 =	sand.u32 $0x7F80, s19;
	v5 =	vshrl.u32 v5, $0x1;
	v7 =	vadd.s32 v62, v3;
	v4 =	vshra.s32 v4, $0x1;
	(pc) =	sbr.rel .LBB2_8-.Ltmp7, $4  }
0x50: {  	s29 =	sand.u32 $0x70, s18;
	s20 =	sand.u32 $0x7F80, s20;
	s19 =	sxor.u32 $0x4000, s19;
	vm14 =	vlt.s32 v10, v63;
	v5 =	vadd.s32 v10, v5;
	v4 =	vadd.s32 v4, v7  }
0x51: {  	vm15 =	veq.s32 v2, v3;
	s31 =	sand.u32 $0x70, s17;
	s30 =	sxor.u32 $0x4000, s20;
	s18 =	sor.u32 s29, s19;
	v6 =	vsel vm13, $0x1FFC00, v6;
	v2 =	vsel vm14, v5, v4  }
0x52: {  	s17 =	sor.u32 s31, s30;
	[tilespmem:s18+$0x0] =	vst v6;
	v2 =	vsel vm15, $0x1FFC00, v2  }
0x53: {  	[tilespmem:s17+$0x0] =	vst v2;
	s17 =	smov.u32 s16  }
.LBB2_10:
0x54: {  	_ =	sfence.sel $0x180000  }
0x55: {  	[bflag:$0x0] =	sbarrier.arrive $0xFFFF  }
0x56: {  	p0 =	sne.s32 s2, $0x0;
	_ =	strace $0x90000047  }
0x57: {  	s0 =	sadd.s32 @!p0 $0x100000, s0;
	[bflag:$0x2] =	sbarrier.arrive $0xFFFF  }
0x58: {  	[sflag:s0] =	ssyncadd.tile.s32 @!p0 $0x1;
	_ =	shalt  }
.Lfunc_end2:
_tile_overlayer_lowered:
.L_overlay_start_2:
0x59: {  	(tag) =	ssettag $0x2  }
0x5a: {  	s0 =	rddreg [dreg:$0x0];
	s2 =	stileid.u32  }
0x5b: {  	s1 =	rddreg [dreg:$0x1];
	p0 =	sne.s32 s2, $0x0  }
0x5c: {  	s3 =	rddreg [dreg:$0x2];
	[bflag:$0x3] =	sbarrier.arrive $0xFFFF;
	s2 =	simm.s32 @!p0 $0x1C02  }
0x5d: {  	[timem:s3], [sflag:s2] =	dma.local @!p0 [hbm:s0], s1  }
0x5e: {  	s0 =	simm.s32 @!p0 $0x2  }
0x5f: {  	_ =	swait.ge @!p0 [sflag:s0], s1  }
0x60: {  	s1 =	ssub.s32 @!p0 $0x0, s1;
	[sflag:s0] =	ssyncset.done @!p0 $0x0  }
0x61: {  	[sflag:s0] =	ssyncadd.s32 @!p0 s1  }
0x62: {  	[bflag:$0x3] =	sbarrier.arrive $0xFFFF  }
0x63: {  	_ =	shalt  }

</sc_bundles>
